<compile_context>
chip_gen: v7x
topology: tpu7x:2x2x1
jax: 0.10.2.dev20260603
libtpu: 0.0.44.dev20260713+nightly
codegen_flags: <defaults>
</compile_context>

<pallas_src>
import functools

import jax
import jax.numpy as jnp
from jax import lax
from jax.experimental import pallas as pl
from jax.experimental.pallas import tpu as pltpu
from jax.experimental.pallas import tpu_sc as plsc

_TAU_INV = 10.0
_THRESH = 0.6
_BR = 1280
_CPAD = 128
_L = 16


def _attn_stats_kernel(num_lb, q_ref, k_ref, cvsrc_ref,
                       cv_ref, scale_ref, idx_ref):
    i = pl.program_id(0)
    q = q_ref[...]
    k = k_ref[...]
    l = lax.dot_general(q, k, (((1,), (1,)), ((), ())),
                        preferred_element_type=jnp.float32) * _TAU_INV
    m = jnp.max(l, axis=1, keepdims=True)
    z = jnp.sum(jnp.exp(l - m), axis=1)
    idx = jnp.argmax(l, axis=1).astype(jnp.int32)
    p = 1.0 / z
    scale = jnp.where(p >= _THRESH, p, 0.0)

    src = cvsrc_ref[...]
    lm = jnp.max(src, axis=1, keepdims=True)
    le = jnp.exp(src - lm)
    sm = le / jnp.sum(le, axis=1, keepdims=True)
    rows = i * _BR + lax.broadcasted_iota(jnp.int32, (_BR, 1), 0)
    cv_blk = jnp.where(rows < num_lb, src, sm)
    pad = jnp.zeros((_BR, _CPAD - cv_blk.shape[1]), jnp.float32)
    cv_ref[...] = jnp.concatenate([cv_blk, pad], axis=1)

    scale_ref[...] = jnp.broadcast_to(scale[:, None], (_BR, _L))
    idx_ref[...] = idx[None, None, :]


def _tc_stats(anchor_feat, positive_feat, lb_one_hot, logits_x_ulb_1):
    N, d = anchor_feat.shape
    num_lb, C = lb_one_hot.shape
    nb = N // _BR
    cv_src = jnp.concatenate([lb_one_hot, logits_x_ulb_1], axis=0)
    cv16, scale16, idx3 = pl.pallas_call(
        functools.partial(_attn_stats_kernel, num_lb),
        grid=(nb,),
        compiler_params=pltpu.CompilerParams(
            dimension_semantics=("parallel",)),
        in_specs=[
            pl.BlockSpec((_BR, d), lambda i: (i, 0)),
            pl.BlockSpec((N, d), lambda i: (0, 0)),
            pl.BlockSpec((_BR, C), lambda i: (i, 0)),
        ],
        out_specs=[
            pl.BlockSpec((_BR, _CPAD), lambda i: (i, 0)),
            pl.BlockSpec((_BR, _L), lambda i: (i, 0)),
            pl.BlockSpec((1, 1, _BR), lambda i: (i, 0, 0)),
        ],
        out_shape=[
            jax.ShapeDtypeStruct((N, _CPAD), jnp.float32),
            jax.ShapeDtypeStruct((N, _L), jnp.float32),
            jax.ShapeDtypeStruct((nb, 1, _BR), jnp.int32),
        ],
    )(anchor_feat, positive_feat, cv_src)
    return cv16, scale16, idx3.reshape(N)


def _make_sc_gather(N):
    info = plsc.get_sparse_core_info()
    NC, NS = info.num_cores, info.num_subcores
    NW = NC * NS
    b_per_w = N // NW
    mesh = plsc.VectorSubcoreMesh(core_axis_name="c", subcore_axis_name="s")

    @functools.partial(
        pl.kernel, mesh=mesh,
        out_type=jax.ShapeDtypeStruct((N, _L), jnp.float32),
        scratch_types=[
            pltpu.VMEM((b_per_w,), jnp.int32),
            pltpu.VMEM((b_per_w, _CPAD), jnp.float32),
            pltpu.VMEM((b_per_w, _L), jnp.float32),
            pltpu.VMEM((b_per_w, _L), jnp.float32),
            pltpu.SemaphoreType.DMA,
        ],
    )
    def gather_scale(cv_hbm, scale_hbm, idx_hbm, out_hbm,
                     idx_v, rows_v, scale_v, out_v, sem):
        wid = lax.axis_index("s") * NC + lax.axis_index("c")
        base = wid * b_per_w
        pltpu.sync_copy(idx_hbm.at[pl.ds(base, b_per_w)], idx_v)
        gather = pltpu.async_copy(cv_hbm.at[idx_v], rows_v, sem)
        pltpu.sync_copy(scale_hbm.at[pl.ds(base, b_per_w)], scale_v)
        gather.wait()

        @plsc.parallel_loop(0, b_per_w, unroll=8)
        def body(r):
            out_v[r, :] = rows_v[r, pl.ds(0, _L)] * scale_v[r, :]

        pltpu.sync_copy(out_v, out_hbm.at[pl.ds(base, b_per_w)])

    return gather_scale


def kernel(anchor_feat, positive_feat, lb_feat, lb_one_hot, logits_x_lb,
           logits_x_ulb_1, logits_x_ulb_2, y_lb):
    N = anchor_feat.shape[0]
    num_lb = lb_one_hot.shape[0]
    C = lb_one_hot.shape[1]
    cv16, scale16, idx = _tc_stats(anchor_feat, positive_feat,
                                   lb_one_hot, logits_x_ulb_1)
    out16 = _make_sc_gather(N)(cv16, scale16, idx)
    out = out16[:, :C]
    return (anchor_feat, positive_feat, lb_feat, lb_one_hot,
            out[:num_lb], out[num_lb:], logits_x_ulb_2)

# --- scband reference (transcript-rebuilt; emitter-appended) ---
"""Pipeline reference for scband-self-non-parametric-mod1-70531952935516 (READ-ONLY COPY).

The authoritative reference and input builder live on the scoring server;
editing this copy changes nothing except your own understanding.
"""

import jax, jax.numpy as jnp
import numpy as np


def setup_inputs(seed: int = 0) -> dict:
    key = jax.random.key(seed)
    ks = jax.random.split(key, 8)
    num_lb, num_ulb, d, C = 1024, 4096, 128, 10
    N = num_lb + num_ulb
    anchor_feat = jax.random.normal(ks[0], (N, d), dtype=jnp.float32)
    positive_feat = jax.random.normal(ks[1], (N, d), dtype=jnp.float32)
    lb_feat = jax.random.normal(ks[2], (num_lb, d), dtype=jnp.float32)
    y_lb = jax.random.randint(ks[3], (num_lb,), 0, C)
    lb_one_hot = jax.nn.one_hot(y_lb, C, dtype=jnp.float32)
    logits_x_lb = jax.random.normal(ks[4], (num_lb, C), dtype=jnp.float32)
    logits_x_ulb_1 = jax.random.normal(ks[5], (num_ulb, C), dtype=jnp.float32)
    logits_x_ulb_2 = jax.random.normal(ks[6], (num_ulb, C), dtype=jnp.float32)
    return {
        "anchor_feat": anchor_feat,
        "positive_feat": positive_feat,
        "lb_feat": lb_feat,
        "lb_one_hot": lb_one_hot,
        "logits_x_lb": logits_x_lb,
        "logits_x_ulb_1": logits_x_ulb_1,
        "logits_x_ulb_2": logits_x_ulb_2,
        "y_lb": y_lb,
    }


def reference(anchor_feat, positive_feat, lb_feat, lb_one_hot, logits_x_lb,
              logits_x_ulb_1, logits_x_ulb_2, y_lb):
    # args defaults: aggregator_tau=0.1, softmax_class_label=True, one_hot_class_label=True
    tau = 0.1
    T = 1.0
    p_cutoff = 0.95
    logits_x_ulb = logits_x_ulb_1
    # softmax_class_label branch with one_hot_class_label=True
    prob_xulb_1 = jax.nn.softmax(logits_x_ulb / T, axis=-1)
    class_val = jnp.concatenate([lb_one_hot, prob_xulb_1], axis=0)
    # confidence-based pseudo-label selection between two unlabeled views
    prob_x_ulb_1 = jax.nn.softmax(logits_x_ulb_1 / 0.5, axis=1)
    prob_x_ulb_2 = jax.nn.softmax(logits_x_ulb_2 / 0.5, axis=1)
    max_probs_x_ulb_1 = jnp.max(prob_x_ulb_1, axis=-1)
    max_probs_x_ulb_2 = jnp.max(prob_x_ulb_2, axis=-1)
    gt_idx_bool = max_probs_x_ulb_1 >= max_probs_x_ulb_2
    logits_x_ulb_gt = jnp.where(gt_idx_bool[:, None], logits_x_ulb_1, logits_x_ulb_2)
    mask = (jax.nn.softmax(logits_x_ulb_gt, axis=1) >= p_cutoff).astype(jnp.float32)
    logits_x_ulb_gt = logits_x_ulb_gt * mask
    max_val = jnp.max(logits_x_ulb_gt, axis=1)
    max_idx_ulb = jnp.argmax(logits_x_ulb_gt, axis=1)
    max_idx_ulb = jnp.where(max_val == 0, -1, max_idx_ulb)
    # per-class pseudo-label counts (scatter-add, ignore -1 entries)
    valid = (max_idx_ulb >= 0).astype(jnp.float32)
    safe_idx = jnp.where(max_idx_ulb >= 0, max_idx_ulb, 0)
    class_num_ulb = jnp.zeros((10,), jnp.float32).at[safe_idx].add(valid)
    class_num_lb = lb_one_hot.sum(axis=0)
    class_num = class_num_ulb + class_num_lb  # computed as in original; unused downstream
    # self-attention aggregation: Q/K are the anchor/positive feature banks
    Q = anchor_feat
    K = positive_feat
    self_atten = jax.nn.softmax((Q @ K.T) / tau, axis=1)
    # threshold at 0.6: keep confident attention weights, zero the rest
    self_atten_threshold = self_atten * (self_atten >= 0.6).astype(self_atten.dtype)
    logits_x_lb_ulb = self_atten_threshold @ class_val
    num_lb = logits_x_lb.shape[0]
    logits_x_lb_out = logits_x_lb_ulb[:num_lb]
    logits_x_ulb_1_out = logits_x_lb_ulb[num_lb:]
    return (anchor_feat, positive_feat, lb_feat, lb_one_hot,
            logits_x_lb_out, logits_x_ulb_1_out, logits_x_ulb_2)

if __name__ == "__main__":
    import jax
    _d = setup_inputs()
    print(jax.jit(kernel)(*tuple(_d.values())))

</pallas_src>

<mosaic_0001>
#map = affine_map<(d0, d1) -> (0, 0)>
#map1 = affine_map<(d0, d1) -> (0)>
module attributes {stable_mosaic.version = 14 : i64} {
  func.func @gather_scale(%arg0: i32, %arg1: i32, %arg2: memref<5120x128xf32, #tpu.memory_space<hbm>>, %arg3: memref<5120x16xf32, #tpu.memory_space<hbm>>, %arg4: memref<5120xi32, #tpu.memory_space<hbm>>, %arg5: memref<5120x16xf32, #tpu.memory_space<hbm>>, %arg6: memref<160xi32, #tpu.memory_space<vmem>>, %arg7: memref<160x128xf32, #tpu.memory_space<vmem>>, %arg8: memref<160x16xf32, #tpu.memory_space<vmem>>, %arg9: memref<160x16xf32, #tpu.memory_space<vmem>>, %arg10: memref<!tpu.dma_semaphore, #tpu.memory_space<semaphore_mem>>) attributes {dimension_semantics = [#tpu.dimension_semantics<core_parallel>, #tpu.dimension_semantics<subcore_parallel>], iteration_bounds = array<i64: 2, 16>, scalar_prefetch = 0 : i64, scratch_operands = 5 : i64, tpu.core_type = #tpu.core_type<sc_vector_subcore>, window_params = [{transform_indices = #map}, {transform_indices = #map}, {transform_indices = #map1}, {transform_indices = #map}]} {
    %mul3A = arith.constant 2 : i32
    %mul3A_0 = arith.muli %arg1, %mul3A : i32
    %add3A = arith.addi %mul3A_0, %arg0 : i32
    %mul3A_1 = arith.constant 160 : i32
    %mul3A_2 = arith.muli %add3A, %mul3A_1 : i32
    "tpu.region"() ({
      %run_scoped3A = tpu.sem_alloc : memref<!tpu.dma_semaphore, #tpu.memory_space<semaphore_mem>>
      %dma_start3A_9 = tpu.memref_slice %arg4[%mul3A_2] : memref<5120xi32, #tpu.memory_space<hbm>> -> memref<160xi32, #tpu.memory_space<hbm>>
      %dma_start3A_10 = tpu.memref_slice %arg4[%mul3A_2] : memref<5120xi32, #tpu.memory_space<hbm>> -> memref<160xi32, #tpu.memory_space<hbm>>
      tpu.enqueue_dma source(%dma_start3A_10 : memref<160xi32, #tpu.memory_space<hbm>>) target(%arg6 : memref<160xi32, #tpu.memory_space<vmem>>) target_semaphore(%run_scoped3A : memref<!tpu.dma_semaphore, #tpu.memory_space<semaphore_mem>>)
      %dma_wait3A_11 = tpu.memref_slice %arg4[%mul3A_2] : memref<5120xi32, #tpu.memory_space<hbm>> -> memref<160xi32, #tpu.memory_space<hbm>>
      %dma_wait3A_12 = tpu.memref_slice %arg4[%mul3A_2] : memref<5120xi32, #tpu.memory_space<hbm>> -> memref<160xi32, #tpu.memory_space<hbm>>
      tpu.wait_dma2 semaphore(%run_scoped3A : memref<!tpu.dma_semaphore, #tpu.memory_space<semaphore_mem>>) src(%dma_wait3A_12 : memref<160xi32, #tpu.memory_space<hbm>>) dst(%arg6 : memref<160xi32, #tpu.memory_space<vmem>>)
      tpu.yield
    }) : () -> ()
    %dma_start3A = arith.constant 0 : i32
    %dma_start3A_3 = arith.constant 0 : i32
    %dma_start3A_4 = tpu.memref_slice %arg2[%dma_start3A, %dma_start3A_3] : memref<5120x128xf32, #tpu.memory_space<hbm>> -> memref<5120x128xf32, #tpu.memory_space<hbm>>
    tpu.enqueue_indirect_dma source(%dma_start3A_4 : memref<5120x128xf32, #tpu.memory_space<hbm>>) target(%arg7 : memref<160x128xf32, #tpu.memory_space<vmem>>) offsets(%arg6 : memref<160xi32, #tpu.memory_space<vmem>>) semaphore(%arg10 : memref<!tpu.dma_semaphore, #tpu.memory_space<semaphore_mem>>)
    "tpu.region"() ({
      %run_scoped3A = tpu.sem_alloc : memref<!tpu.dma_semaphore, #tpu.memory_space<semaphore_mem>>
      %dma_start3A_9 = arith.constant 0 : i32
      %dma_start3A_10 = tpu.memref_slice %arg3[%mul3A_2, %dma_start3A_9] : memref<5120x16xf32, #tpu.memory_space<hbm>> -> memref<160x16xf32, #tpu.memory_space<hbm>>
      %dma_start3A_11 = arith.constant 0 : i32
      %dma_start3A_12 = tpu.memref_slice %arg3[%mul3A_2, %dma_start3A_11] : memref<5120x16xf32, #tpu.memory_space<hbm>> -> memref<160x16xf32, #tpu.memory_space<hbm>>
      tpu.enqueue_dma source(%dma_start3A_12 : memref<160x16xf32, #tpu.memory_space<hbm>>) target(%arg8 : memref<160x16xf32, #tpu.memory_space<vmem>>) target_semaphore(%run_scoped3A : memref<!tpu.dma_semaphore, #tpu.memory_space<semaphore_mem>>)
      %dma_wait3A_13 = arith.constant 0 : i32
      %dma_wait3A_14 = tpu.memref_slice %arg3[%mul3A_2, %dma_wait3A_13] : memref<5120x16xf32, #tpu.memory_space<hbm>> -> memref<160x16xf32, #tpu.memory_space<hbm>>
      %dma_wait3A_15 = arith.constant 0 : i32
      %dma_wait3A_16 = tpu.memref_slice %arg3[%mul3A_2, %dma_wait3A_15] : memref<5120x16xf32, #tpu.memory_space<hbm>> -> memref<160x16xf32, #tpu.memory_space<hbm>>
      tpu.wait_dma2 semaphore(%run_scoped3A : memref<!tpu.dma_semaphore, #tpu.memory_space<semaphore_mem>>) src(%dma_wait3A_16 : memref<160x16xf32, #tpu.memory_space<hbm>>) dst(%arg8 : memref<160x16xf32, #tpu.memory_space<vmem>>)
      tpu.yield
    }) : () -> ()
    %dma_wait3A = arith.constant 0 : i32
    %dma_wait3A_5 = arith.constant 0 : i32
    %dma_wait3A_6 = tpu.memref_slice %arg2[%dma_wait3A, %dma_wait3A_5] : memref<5120x128xf32, #tpu.memory_space<hbm>> -> memref<5120x128xf32, #tpu.memory_space<hbm>>
    tpu.wait_indirect_dma semaphore(%arg10 : memref<!tpu.dma_semaphore, #tpu.memory_space<semaphore_mem>>) src(%dma_wait3A_6 : memref<5120x128xf32, #tpu.memory_space<hbm>>) dst(%arg7 : memref<160x128xf32, #tpu.memory_space<vmem>>)
    %parallel_loop3A = arith.constant 0 : i32
    %parallel_loop3A_7 = arith.constant 160 : i32
    %parallel_loop3A_8 = arith.constant 1 : i32
    scf.for %parallel_loop3A_9 = %parallel_loop3A to %parallel_loop3A_7 step %parallel_loop3A_8  : i32 {
      %parallel_loop3A_10 = arith.index_cast %parallel_loop3A_9 : i32 to index
      %parallel_loop3A_11 = arith.constant 0 : index
      %parallel_loop3A_12 = tpu.vector_load %arg7[%parallel_loop3A_10, %parallel_loop3A_11] {strides = array<i32>} : memref<160x128xf32, #tpu.memory_space<vmem>>, vector<1x16xf32>,
      %parallel_loop3A_13 = vector.shape_cast %parallel_loop3A_12 : vector<1x16xf32> to vector<16xf32>
      %parallel_loop3A_14 = arith.index_cast %parallel_loop3A_9 : i32 to index
      %parallel_loop3A_15 = arith.constant 0 : index
      %parallel_loop3A_16 = tpu.vector_load %arg8[%parallel_loop3A_14, %parallel_loop3A_15] {strides = array<i32>} : memref<160x16xf32, #tpu.memory_space<vmem>>, vector<1x16xf32>,
      %parallel_loop3A_17 = vector.shape_cast %parallel_loop3A_16 : vector<1x16xf32> to vector<16xf32>
      %parallel_loop3A_18 = arith.mulf %parallel_loop3A_13, %parallel_loop3A_17 : vector<16xf32>
      %parallel_loop3A_19 = arith.index_cast %parallel_loop3A_9 : i32 to index
      %parallel_loop3A_20 = arith.constant 0 : index
      %parallel_loop3A_21 = tpu.vector_load %arg9[%parallel_loop3A_19, %parallel_loop3A_20] {strides = array<i32>} : memref<160x16xf32, #tpu.memory_space<vmem>>, vector<1x16xf32>,
      %parallel_loop3A_22 = vector.shape_cast %parallel_loop3A_21 : vector<1x16xf32> to vector<16xf32>
      %parallel_loop3A_23 = vector.shape_cast %parallel_loop3A_18 : vector<16xf32> to vector<1x16xf32>
      tpu.vector_store %arg9[%parallel_loop3A_19, %parallel_loop3A_20], %parallel_loop3A_23 {strides = array<i32>} : memref<160x16xf32, #tpu.memory_space<vmem>>, vector<1x16xf32>,
    } {sc.loop_unroll_factor = 8 : i64, sc.parallel_access}
    "tpu.region"() ({
      %run_scoped3A = tpu.sem_alloc : memref<!tpu.dma_semaphore, #tpu.memory_space<semaphore_mem>>
      %dma_start3A_9 = arith.constant 0 : i32
      %dma_start3A_10 = tpu.memref_slice %arg5[%mul3A_2, %dma_start3A_9] : memref<5120x16xf32, #tpu.memory_space<hbm>> -> memref<160x16xf32, #tpu.memory_space<hbm>>
      %dma_start3A_11 = arith.constant 0 : i32
      %dma_start3A_12 = tpu.memref_slice %arg5[%mul3A_2, %dma_start3A_11] : memref<5120x16xf32, #tpu.memory_space<hbm>> -> memref<160x16xf32, #tpu.memory_space<hbm>>
      tpu.enqueue_dma source(%arg9 : memref<160x16xf32, #tpu.memory_space<vmem>>) target(%dma_start3A_12 : memref<160x16xf32, #tpu.memory_space<hbm>>) target_semaphore(%run_scoped3A : memref<!tpu.dma_semaphore, #tpu.memory_space<semaphore_mem>>)
      %dma_wait3A_13 = arith.constant 0 : i32
      %dma_wait3A_14 = tpu.memref_slice %arg5[%mul3A_2, %dma_wait3A_13] : memref<5120x16xf32, #tpu.memory_space<hbm>> -> memref<160x16xf32, #tpu.memory_space<hbm>>
      %dma_wait3A_15 = arith.constant 0 : i32
      %dma_wait3A_16 = tpu.memref_slice %arg5[%mul3A_2, %dma_wait3A_15] : memref<5120x16xf32, #tpu.memory_space<hbm>> -> memref<160x16xf32, #tpu.memory_space<hbm>>
      tpu.wait_dma2 semaphore(%run_scoped3A : memref<!tpu.dma_semaphore, #tpu.memory_space<semaphore_mem>>) src(%arg9 : memref<160x16xf32, #tpu.memory_space<vmem>>) dst(%dma_wait3A_16 : memref<160x16xf32, #tpu.memory_space<hbm>>)
      tpu.yield
    }) : () -> ()
    return
  }
}

module attributes {stable_mosaic.version = 14 : i64} {
  func.func @_attn_stats_kernel(%arg0: i32, %arg1: memref<1280x128xf32, #tpu.memory_space<vmem>>, %arg2: memref<5120x128xf32, #tpu.memory_space<vmem>>, %arg3: memref<1280x10xf32, #tpu.memory_space<vmem>>, %arg4: memref<1280x128xf32, #tpu.memory_space<vmem>>, %arg5: memref<1280x16xf32, #tpu.memory_space<vmem>>, %arg6: memref<1x1x1280xi32, #tpu.memory_space<vmem>>) attributes {dimension_semantics = [#tpu.dimension_semantics<parallel>], iteration_bounds = array<i64: 4>, scalar_prefetch = 0 : i64, scratch_operands = 0 : i64, tpu.core_type = #tpu.core_type<tc>, window_params = [{transform_indices = @transform_0, window_bounds = array<i64: 1280, 128>}, {pipeline_mode = #tpu.pipeline_mode<synchronous>, transform_indices = @transform_1, window_bounds = array<i64: 5120, 128>}, {transform_indices = @transform_2, window_bounds = array<i64: 1280, 10>}, {transform_indices = @transform_3, window_bounds = array<i64: 1280, 128>}, {transform_indices = @transform_4, window_bounds = array<i64: 1280, 16>}, {transform_indices = @transform_5, window_bounds = array<i64: 1, 1, 1280>}]} {
    %get3A = arith.constant 0 : index
    %get3A_0 = arith.constant 0 : index
    %get3A_1 = vector.load %arg1[%get3A, %get3A_0] : memref<1280x128xf32, #tpu.memory_space<vmem>>, vector<1280x128xf32>
    %get3A_2 = arith.constant 0 : index
    %get3A_3 = arith.constant 0 : index
    %get3A_4 = vector.load %arg2[%get3A_2, %get3A_3] : memref<5120x128xf32, #tpu.memory_space<vmem>>, vector<5120x128xf32>
    %dot_general3A = arith.constant dense<0.000000e+00> : vector<1280x5120xf32>
    %dot_general3A_5 = tpu.matmul %get3A_1, %get3A_4, %dot_general3A {dimension_numbers = #tpu.dot_dimension_numbers<[1], [1], [0], [0], [0, 0, 1, 0], [], []>, transpose_lhs_hint = false} : vector<1280x128xf32>, vector<5120x128xf32>, vector<1280x5120xf32> -> vector<1280x5120xf32>
    %mul3A = arith.constant 1.000000e+01 : f32
    %mul3A_6 = vector.broadcast %mul3A : f32 to vector<1280x5120xf32>
    %mul3A_7 = arith.mulf %dot_general3A_5, %mul3A_6 : vector<1280x5120xf32>
    %reduce_max3A = arith.constant dense<0xFF800000> : vector<1280xf32>
    %reduce_max3A_8 = vector.multi_reduction <maximumf>, %mul3A_7, %reduce_max3A [1] : vector<1280x5120xf32> to vector<1280xf32>
    %broadcast_in_dim3A = vector.shape_cast %reduce_max3A_8 : vector<1280xf32> to vector<1280x1xf32>
    %sub3A = vector.broadcast %broadcast_in_dim3A : vector<1280x1xf32> to vector<1280x5120xf32>
    %sub3A_9 = arith.subf %mul3A_7, %sub3A : vector<1280x5120xf32>
    %exp3A = math.exp %sub3A_9 : vector<1280x5120xf32>
    %reduce_sum3A = arith.constant dense<0.000000e+00> : vector<1280xf32>
    %reduce_sum3A_10 = vector.multi_reduction <add>, %exp3A, %reduce_sum3A [1] : vector<1280x5120xf32> to vector<1280xf32>
    %argmax3A = tpu.reduce_index %mul3A_7 {axis = 1 : i32, kind = #tpu.reduction_kind<arg_max>} : vector<1280x5120xf32> -> vector<1280xi32>
    %div3A = arith.constant 1.000000e+00 : f32
    %div3A_11 = vector.broadcast %div3A : f32 to vector<1280xf32>
    %div3A_12 = arith.divf %div3A_11, %reduce_sum3A_10 : vector<1280xf32>
    %ge3A = arith.constant 6.000000e-01 : f32
    %ge3A_13 = vector.broadcast %ge3A : f32 to vector<1280xf32>
    %ge3A_14 = arith.cmpf oge, %div3A_12, %ge3A_13 : vector<1280xf32>
    %jit3A = arith.constant 0.000000e+00 : f32
    %broadcast_in_dim3A_15 = vector.broadcast %jit3A : f32 to vector<1280xf32>
    %select_n3A = arith.select %ge3A_14, %div3A_12, %broadcast_in_dim3A_15 : vector<1280xi1>, vector<1280xf32>
    %get3A_16 = arith.constant 0 : index
    %get3A_17 = arith.constant 0 : index
    %get3A_18 = vector.load %arg3[%get3A_16, %get3A_17] : memref<1280x10xf32, #tpu.memory_space<vmem>>, vector<1280x10xf32>
    %reduce_max3A_19 = arith.constant dense<0xFF800000> : vector<1280xf32>
    %reduce_max3A_20 = vector.multi_reduction <maximumf>, %get3A_18, %reduce_max3A_19 [1] : vector<1280x10xf32> to vector<1280xf32>
    %broadcast_in_dim3A_21 = vector.shape_cast %reduce_max3A_20 : vector<1280xf32> to vector<1280x1xf32>
    %sub3A_22 = vector.broadcast %broadcast_in_dim3A_21 : vector<1280x1xf32> to vector<1280x10xf32>
    %sub3A_23 = arith.subf %get3A_18, %sub3A_22 : vector<1280x10xf32>
    %exp3A_24 = math.exp %sub3A_23 : vector<1280x10xf32>
    %reduce_sum3A_25 = arith.constant dense<0.000000e+00> : vector<1280xf32>
    %reduce_sum3A_26 = vector.multi_reduction <add>, %exp3A_24, %reduce_sum3A_25 [1] : vector<1280x10xf32> to vector<1280xf32>
    %broadcast_in_dim3A_27 = vector.shape_cast %reduce_sum3A_26 : vector<1280xf32> to vector<1280x1xf32>
    %div3A_28 = vector.broadcast %broadcast_in_dim3A_27 : vector<1280x1xf32> to vector<1280x10xf32>
    %div3A_29 = arith.divf %exp3A_24, %div3A_28 : vector<1280x10xf32>
    %mul3A_30 = arith.constant 1280 : i32
    %mul3A_31 = arith.muli %arg0, %mul3A_30 : i32
    %iota3A = tpu.iota {dimensions = array<i32: 0>} : vector<1280x1xi32>
    %add3A = vector.broadcast %mul3A_31 : i32 to vector<1280x1xi32>
    %add3A_32 = arith.addi %add3A, %iota3A : vector<1280x1xi32>
    %lt3A = arith.constant 1024 : i32
    %lt3A_33 = vector.broadcast %lt3A : i32 to vector<1280x1xi32>
    %lt3A_34 = arith.cmpi slt, %add3A_32, %lt3A_33 : vector<1280x1xi32>
    %broadcast_in_dim3A_35 = vector.shape_cast %lt3A_34 : vector<1280x1xi1> to vector<1280x1xi1>
    %broadcast_in_dim3A_36 = vector.broadcast %broadcast_in_dim3A_35 : vector<1280x1xi1> to vector<1280x10xi1>
    %select_n3A_37 = arith.select %broadcast_in_dim3A_36, %get3A_18, %div3A_29 : vector<1280x10xi1>, vector<1280x10xf32>
    %broadcast_in_dim3A_38 = arith.constant 0.000000e+00 : f32
    %broadcast_in_dim3A_39 = vector.broadcast %broadcast_in_dim3A_38 : f32 to vector<1280x118xf32>
    %concatenate3A = tpu.concatenate %select_n3A_37, %broadcast_in_dim3A_39 in 1 : vector<1280x10xf32>, vector<1280x118xf32> -> vector<1280x128xf32>
    %swap3A = arith.constant 0 : index
    %swap3A_40 = arith.constant 0 : index
    %swap3A_41 = vector.load %arg4[%swap3A, %swap3A_40] : memref<1280x128xf32, #tpu.memory_space<vmem>>, vector<1280x128xf32>
    tpu.vector_store %arg4[%swap3A, %swap3A_40], %concatenate3A {strides = array<i32>} : memref<1280x128xf32, #tpu.memory_space<vmem>>, vector<1280x128xf32>,
    %broadcast_in_dim3A_42 = vector.shape_cast %select_n3A : vector<1280xf32> to vector<1280x1xf32>
    %broadcast_in_dim3A_43 = vector.shape_cast %broadcast_in_dim3A_42 : vector<1280x1xf32> to vector<1280x1xf32>
    %broadcast_in_dim3A_44 = vector.broadcast %broadcast_in_dim3A_43 : vector<1280x1xf32> to vector<1280x16xf32>
    %swap3A_45 = arith.constant 0 : index
    %swap3A_46 = arith.constant 0 : index
    %swap3A_47 = vector.load %arg5[%swap3A_45, %swap3A_46] : memref<1280x16xf32, #tpu.memory_space<vmem>>, vector<1280x16xf32>
    tpu.vector_store %arg5[%swap3A_45, %swap3A_46], %broadcast_in_dim3A_44 {strides = array<i32>} : memref<1280x16xf32, #tpu.memory_space<vmem>>, vector<1280x16xf32>,
    %broadcast_in_dim3A_48 = vector.shape_cast %argmax3A : vector<1280xi32> to vector<1x1x1280xi32>
    %swap3A_49 = arith.constant 0 : index
    %swap3A_50 = arith.constant 0 : index
    %swap3A_51 = arith.constant 0 : index
    %swap3A_52 = vector.load %arg6[%swap3A_49, %swap3A_50, %swap3A_51] : memref<1x1x1280xi32, #tpu.memory_space<vmem>>, vector<1x1x1280xi32>
    tpu.vector_store %arg6[%swap3A_49, %swap3A_50, %swap3A_51], %broadcast_in_dim3A_48 {strides = array<i32>} : memref<1x1x1280xi32, #tpu.memory_space<vmem>>, vector<1x1x1280xi32>,
    return
  }
  func.func @transform_0(%arg0: i32) -> (i32, i32) {
    %c0_i32 = arith.constant 0 : i32
    %c0_i32_0 = arith.constant 0 : i32
    return %arg0, %c0_i32 : i32, i32
  }
  func.func @transform_1(%arg0: i32) -> (i32, i32) {
    %c0_i32 = arith.constant 0 : i32
    %c0_i32_0 = arith.constant 0 : i32
    %c0_i32_1 = arith.constant 0 : i32
    return %c0_i32, %c0_i32_0 : i32, i32
  }
  func.func @transform_2(%arg0: i32) -> (i32, i32) {
    %c0_i32 = arith.constant 0 : i32
    %c0_i32_0 = arith.constant 0 : i32
    return %arg0, %c0_i32 : i32, i32
  }
  func.func @transform_3(%arg0: i32) -> (i32, i32) {
    %c0_i32 = arith.constant 0 : i32
    %c0_i32_0 = arith.constant 0 : i32
    return %arg0, %c0_i32 : i32, i32
  }
  func.func @transform_4(%arg0: i32) -> (i32, i32) {
    %c0_i32 = arith.constant 0 : i32
    %c0_i32_0 = arith.constant 0 : i32
    return %arg0, %c0_i32 : i32, i32
  }
  func.func @transform_5(%arg0: i32) -> (i32, i32, i32) {
    %c0_i32 = arith.constant 0 : i32
    %c0_i32_0 = arith.constant 0 : i32
    %c0_i32_1 = arith.constant 0 : i32
    return %arg0, %c0_i32, %c0_i32_0 : i32, i32, i32
  }
}

</mosaic_0001>

<sc_bundles>
// kernel: kernel.4.cloned.1.call-start
scs
__scs_entry_jumppad:
0x0: {  	(pc) =	sbr.rel $0x88, $3  }
0x1: {  	(tag) =	ssettag $0x0;
	lr =	simm.s32 $0x1  }
0x2: {  	[smem:$0x3F9B] =	sst lr;
	_ =	strace $0xD0000000  }
0x3: {  	_ = 	snop  }
0x4: {  	_ = 	snop  }
0x5: {  	_ = 	snop  }
0x6: {  	_ = 	snop  }
0x7: {  	_ = 	snop  }
__scs_overlays_trampoline_lowered:
0x8: {  	[smem:$0x3FAA] =	sst s0  }
0x9: {  	[smem:$0x3FAB] =	sst s1  }
0xa: {  	[smem:$0x3FAC] =	sst s2  }
0xb: {  	[smem:$0x3FAD] =	sst s3  }
0xc: {  	[smem:$0x3FAE] =	sst s4  }
0xd: {  	[smem:$0x3FAF] =	sst s5  }
0xe: {  	[smem:$0x3FB0] =	sst s6  }
0xf: {  	[smem:$0x3FB1] =	sst s7  }
0x10: {  	[smem:$0x3FB2] =	sst s8  }
0x11: {  	[smem:$0x3FB3] =	sst s9;
	s0 =	simm.s32 @!p0 $0x0  }
0x12: {  	s1 =	sld [smem:$0x3F99];
	s0 =	simm.s32 @p0 $0x1  }
0x13: {  	[smem:$0x3FB4] =	sst s0;
	s0 =	simm.s32 @!p1 $0x0  }
0x14: {  	s2 =	sld [smem:$0x3F98];
	s0 =	simm.s32 @p1 $0x1  }
0x15: {  	[smem:$0x3FB5] =	sst s0;
	s0 =	simm.s32 @!p2 $0x0  }
0x16: {  	s3 =	sld [smem:$0x3FDB];
	s0 =	simm.s32 @p2 $0x1  }
0x17: {  	s4 =	simm.s32 $0x1BF5;
	[smem:$0x3FB7] =	sst s0  }
0x18: {  	s0 =	sld [smem:$0x3F9A];
	_ =	swait.ge [sflag:s4], $0x0  }
0x19: {  	s7 =	sld [smem:$0x3F9B]  }
0x1a: {  	s8 =	sadd.s32 $0xFFFFE003, lr  }
0x1b: {  	s9 =	sadd.s32 $0xFFFFFEF7, lr;
	s5 =	simm.s32 $0xFFFFFFFF;
	p2 =	slt.u32 s8, $0xFFFFF086  }
0x1c: {  	p1 =	slt.u32 s9, $0xF7A;
	s5 =	simm.s32 @!p2 $0x0  }
0x1d: {  	s5 =	simm.s32 @p1 $0x1;
	p0 =	seq.s32 s7, s2  }
0x1e: {  	s7 =	smul.u32 @!p0 $0xF7A, s2;
	p2 =	seq.s32 @!p0 s5, $0x0  }
0x1f: {  	s9 =	smul.u32 $0xF7A, s1;
	s8 =	simm.s32 @!p0 $0x1BF5;
	p2 =	por !p2, p0  }
0x20: {  	[sflag:s8] =	ssyncset.s32 @!p0 $0xFFFFF086;
	s6 =	sadd.s32 @!p0 s3, s7;
	s7 =	simm.s32 @!p0 $0x108  }
0x21: {  	s3 =	sadd.s32 s3, s9;
	s6 =	sadd.s32 @!p0 $0x88, s6;
	s7 =	simm.s32 @p2 $0x1082  }
0x22: {  	[simem:s7], [sflag:s8] =	dma.local @!p0 [hbm:s6], $0xF7A  }
0x23: {  	s9 =	sor.u32 $0xD0000000, s2;
	s6 =	simm.s32 $0x108;
	_ =	swait.ge @!p0 [sflag:s8], $0x0  }
0x24: {  	s3 =	sadd.s32 $0x88, s3;
	s6 =	simm.s32 @!p1 $0x1082;
	[sflag:s4] =	ssyncset.s32 $0xFFFFF086  }
0x25: {  	[simem:s6], [sflag:s4] =	dma.local [hbm:s3], $0xF7A  }
0x26: {  	[smem:$0x3F9B] =	sst s1;
	(tag) =	ssettag s2;
	_ =	strace s9  }
0x27: {  	s1 =	sld [smem:$0x3FAB]  }
0x28: {  	s2 =	sld [smem:$0x3FAC]  }
0x29: {  	s4 =	sld [smem:$0x3FAE]  }
0x2a: {  	p0 =	seq.s32 s5, $0x0;
	s5 =	sld [smem:$0x3FAF]  }
0x2b: {  	s6 =	sld [smem:$0x3FB0]  }
0x2c: {  	s7 =	sld [smem:$0x3FB1]  }
0x2d: {  	s3 =	simm.s32 $0x108;
	s8 =	sld [smem:$0x3FB2]  }
0x2e: {  	s3 =	simm.s32 @!p0 $0x1082;
	s9 =	sld [smem:$0x3FB3]  }
0x2f: {  	lr =	sadd.s32 s0, s3;
	s0 =	sld [smem:$0x3FAA]  }
0x30: {  	s3 =	sld [smem:$0x3FAD]  }
0x31: {  	[smem:$0x3FB6] =	sst s10  }
0x32: {  	s10 =	sld [smem:$0x3FB4];
	_ =	sdelay $0x3  }
0x33: {  	p0 =	seq.s32 s10, $0x1;
	s10 =	sld [smem:$0x3FB6];
	_ =	sdelay $0x3  }
0x34: {  	[smem:$0x3FB6] =	sst s10  }
0x35: {  	s10 =	sld [smem:$0x3FB5];
	_ =	sdelay $0x3  }
0x36: {  	p1 =	seq.s32 s10, $0x1;
	s10 =	sld [smem:$0x3FB6];
	_ =	sdelay $0x3  }
0x37: {  	[smem:$0x3FB6] =	sst s10  }
0x38: {  	s10 =	sld [smem:$0x3FB7]  }
0x39: {  	_ = 	snop;
	(pc) =	sbr.ind lr, $3  }
0x3a: {  	_ = 	snop  }
0x3b: {  	_ = 	snop  }
0x3c: {  	p2 =	seq.s32 s10, $0x1;
	s10 =	sld [smem:$0x3FB6]  }
0x3d: {  	_ =	shalt  }
0x3e: {  	_ =	shalt  }
0x3f: {  	_ =	shalt  }
0x40: {  	_ =	shalt  }
0x41: {  	_ =	shalt  }
0x42: {  	_ =	shalt  }
0x43: {  	_ =	shalt  }
0x44: {  	_ =	shalt  }
0x45: {  	_ =	shalt  }
0x46: {  	_ =	shalt  }
0x47: {  	_ =	shalt  }
0x48: {  	_ =	shalt  }
0x49: {  	_ =	shalt  }
0x4a: {  	_ =	shalt  }
0x4b: {  	_ =	shalt  }
0x4c: {  	_ =	shalt  }
0x4d: {  	_ =	shalt  }
0x4e: {  	_ =	shalt  }
0x4f: {  	_ =	shalt  }
0x50: {  	_ =	shalt  }
0x51: {  	_ =	shalt  }
0x52: {  	_ =	shalt  }
0x53: {  	_ =	shalt  }
0x54: {  	_ =	shalt  }
0x55: {  	_ =	shalt  }
0x56: {  	_ =	shalt  }
0x57: {  	_ =	shalt  }
0x58: {  	_ =	shalt  }
0x59: {  	_ =	shalt  }
0x5a: {  	_ =	shalt  }
0x5b: {  	_ =	shalt  }
0x5c: {  	_ =	shalt  }
0x5d: {  	_ =	shalt  }
0x5e: {  	_ =	shalt  }
0x5f: {  	_ =	shalt  }
0x60: {  	_ =	shalt  }
0x61: {  	_ =	shalt  }
0x62: {  	_ =	shalt  }
0x63: {  	_ =	shalt  }
0x64: {  	_ =	shalt  }
0x65: {  	_ =	shalt  }
0x66: {  	_ =	shalt  }
0x67: {  	_ =	shalt  }
0x68: {  	_ =	shalt  }
0x69: {  	_ =	shalt  }
0x6a: {  	_ =	shalt  }
0x6b: {  	_ =	shalt  }
0x6c: {  	_ =	shalt  }
0x6d: {  	_ =	shalt  }
0x6e: {  	_ =	shalt  }
0x6f: {  	_ =	shalt  }
0x70: {  	_ =	shalt  }
0x71: {  	_ =	shalt  }
0x72: {  	_ =	shalt  }
0x73: {  	_ =	shalt  }
0x74: {  	_ =	shalt  }
0x75: {  	_ =	shalt  }
0x76: {  	_ =	shalt  }
0x77: {  	_ =	shalt  }
0x78: {  	_ =	shalt  }
0x79: {  	_ =	shalt  }
0x7a: {  	_ =	shalt  }
0x7b: {  	_ =	shalt  }
0x7c: {  	_ =	shalt  }
0x7d: {  	_ =	shalt  }
0x7e: {  	_ =	shalt  }
0x7f: {  	_ =	shalt  }
0x80: {  	_ =	shalt  }
0x81: {  	_ =	shalt  }
0x82: {  	_ =	shalt  }
0x83: {  	_ =	shalt  }
0x84: {  	_ =	shalt  }
0x85: {  	_ =	shalt  }
0x86: {  	_ =	shalt  }
0x87: {  	_ =	shalt  }
.Lfunc_end0:
.L_simem_size_0:
called_computation_lowered:
.L_overlay_start_0:
0x88: {  	s2 =	sld [smem:$0x3FD9]  }
0x89: {  	s3 =	sld [smem:$0x3FFE];
	_ =	sdelay $0x1  }
0x8a: {  	s1 =	srdreg.scid  }
0x8b: {  	s0 =	sand.u32 $0x1, s1  }
0x8c: {  	s14 =	sshll.u32 s0, $0xA;
	s2 =	sadd.s32 s3, s2  }
0x8d: {  	s2 =	sadd.s32 s2, s14  }
0x8e: {  	[smem:$0x3FC2] =	sst s2  }
0x8f: {  	_ = 	snop  }
0x90: {  	s2 =	sld [smem:$0x3FD0];
	_ =	sdelay $0x2  }
0x91: {  	s15 =	simm.s32 $0xA;
	s4 =	simm.s32 $0x10  }
0x92: {  	[smem:s4], [sflag:s15] =	dma.local [hbm:s2], $0x1  }
0x93: {  	_ =	swait.eq [sflag:s15], $0x1  }
0x94: {  	s16 =	sld [smem:$0x10];
	[sflag:s15] =	ssyncset.done $0x0  }
0x95: {  	s17 =	sld [smem:$0x11];
	[sflag:s15] =	ssyncadd.s32 $0xFFFFFFFF  }
0x96: {  	s18 =	sld [smem:$0x14];
	(tm) =	ssettm $0x1  }
0x97: {  	s5 =	sld [smem:$0x3FFB];
	_ =	sdelay $0x3  }
0x98: {  	_ =	strace s5  }
0x99: {  	s5 =	sld [smem:$0x3FFC];
	_ =	sdelay $0x3  }
0x9a: {  	_ =	strace s5  }
0x9b: {  	s5 =	sld [smem:$0x3FFD];
	_ =	sdelay $0x3  }
0x9c: {  	_ =	strace s5  }
0x9d: {  	_ =	strace $0x8FFFFFFF  }
0x9e: {  	s19 =	sld [smem:$0x3FDB];
	_ =	sdelay $0x1  }
0x9f: {  	s6 =	simm.s32 $_scs_section_size  }
0xa0: {  	s7 =	simm.s32 $_size__tile_overlayer_lowered;
	s8 =	simm.s32 $_tile_overlayer_lowered  }
0xa1: {  	s22 =	simm.s32 $0x1BFF;
	s21 =	sshll.u32 s8, $0x1;
	s5 =	sadd.s32 s6, s19  }
0xa2: {  	s9 =	simm.s32 $0x0;
	s20 =	sshll.u32 s7, $0x1;
	s7 =	sadd.s32 s21, s5  }
0xa3: {  	[timem:s9], [sflag:s22] =	dma.local [hbm:s7], s20  }
0xa4: {  	_ =	swait.ge [sflag:s22], s20  }
0xa5: {  	s6 =	ssub.s32 $0x0, s20;
	[sflag:s22] =	ssyncset.done $0x0  }
0xa6: {  	[sflag:s22] =	ssyncadd.s32 s6;
	_ =	sdelay $0x1  }
0xa7: {  	s23 =	simm.s32 $0x1B8B  }
0xa8: {  	_ =	swait.ge [sflag:s23], $0x1  }
0xa9: {  	[sflag:s23] =	ssyncset.done $0x0  }
0xaa: {  	s25 =	simm.s32 $0x1B8E;
	s24 =	sld [smem:$0x3FFE];
	[sflag:s23] =	ssyncadd.s32 $0xFFFFFFFF  }
0xab: {  	s26 =	simm.s32 $execute0_lowered;
	[smem:$0x3FD2] =	sst s25  }
0xac: {  	s7 =	sshll.u32 s26, $0x1;
	_ =	strace $0x80000046;
	[dreg:$0x1] =	wrdreg $0xFFFFFFFF  }
0xad: {  	s28 =	simm.s32 $_size_execute0_lowered;
	s5 =	sadd.s32 s5, s7;
	[dreg:$0x0] =	wrdreg $0x0  }
0xae: {  	s7 =	sshll.u32 s28, $0x1;
	[dreg:$0x2] =	wrdreg s5  }
0xaf: {  	[dreg:$0x3] =	wrdreg s7  }
0xb0: {  	[dreg:$0x4] =	wrdreg $0xC0  }
0xb1: {  	_ =	task [dreg:s9], $0x5FFFF  }
0xb2: {  	[dreg:$0x1] =	wrdreg $0xFFFFFFFF  }
0xb3: {  	[dreg:$0x0] =	wrdreg $0x60  }
0xb4: {  	[dreg:$0x2] =	wrdreg s17  }
0xb5: {  	[dreg:$0x3] =	wrdreg s16  }
0xb6: {  	[dreg:$0x4] =	wrdreg s18  }
0xb7: {  	[dreg:$0x5] =	wrdreg s24  }
0xb8: {  	[dreg:$0x6] =	wrdreg $0x9  }
0xb9: {  	_ =	task.clear_ibuf [dreg:s9], $0x7FFFF;
	_ =	strace $0x90000046  }
0xba: {  	s29 =	simm.s32 $0x9;
	_ =	strace $0x80000048  }
0xbb: {  	_ =	swait.ge [sflag:s29], $0x1  }
0xbc: {  	[sflag:s29] =	ssyncadd.s32 $0xFFFFFFFF  }
0xbd: {  	_ =	strace $0x90000048  }
0xbe: {  	_ =	sfence  }
0xbf: {  	s30 =	sld [smem:$0x0];
	_ =	sdelay $0x2  }
0xc0: {  	s31 =	sshll.u32 s1, $0xD;
	s1 =	sshrl.u32 s1, $0x2  }
0xc1: {  	s3 =	sand.u32 $0x4000, s31;
	s1 =	sadd.s32 s1, s30  }
0xc2: {  	s0 =	sor.u32 s3, s0;
	s1 =	sshll.u32 s1, $0x11  }
0xc3: {  	s0 =	sor.u32 s1, s0  }
0xc4: {  	s0 =	sadd.s32 $0x8F2B, s0  }
0xc5: {  	[sflag:s0] =	ssyncadd.remote.s32 $0x1  }
0xc6: {  	_ =	sfence.sel $0xFFFF  }
0xc7: {  	[dreg:$0x0] =	wrdreg $0xFFFFFFFF;
	(pc) =	sbr.abs _section_cstart, $3  }
0xc8: {  	[dreg:$0x1] =	wrdreg $0xFFFFFFFF  }
0xc9: {  	_ =	task.clear_ibuf [dreg:s9], $0x2FFFF;
	_ =	strace $0x9FFFFFFF  }
0xca: {  	(tm) =	ssettm $0x7FFFFFFF  }
0xcb: {  	_ =	shalt  }
tec
execute0_lowered:
.L_overlay_start_1:
0x0: {  	(tag) =	ssettag $0x1  }
0x1: {  	s1 =	rddreg [dreg:$0x0]  }
0x2: {  	s5 =	rddreg [dreg:$0x1]  }
0x3: {  	s2 =	srdreg.scid;
	s4 =	rddreg [dreg:$0x2]  }
0x4: {  	s0 =	stileid.u32;
	s7 =	rddreg [dreg:$0x3]  }
0x5: {  	s3 =	simm.s32 $0x0;
	s6 =	sand.u32 $0x1, s2;
	s31 =	sshll.u32 s0, $0x1  }
0x6: {  	s11 =	simm.s32 $0x5100;
	s12 =	simm.s32 $0x1;
	s8 =	sor.u32 s6, s31  }
0x7: {  	s13 =	simm.s32 $0xA100;
	s14 =	simm.s32 $0x0;
	s9 =	smul.u32 $0xA00, s8  }
0x8: {  	[smem:$0x7FF] =	sst s3;
	s6 =	ssub.s32 $0x2, s6;
	s8 =	smul.u32 $0x14, s8  }
0x9: {  	s2 =	rddreg [dreg:$0x4];
	_ =	strace $0x80000047;
	s10 =	sshrl.u32 s6, $0x1  }
0xa: {  	s10 =	ssub.s32 s6, s10;
	s7 =	sadd.s32 s9, s7;
	s4 =	sadd.s32 s4, s8  }
0xb: {  	s5 =	sadd.s32 s5, s9;
	s8 =	simm.s32 $0x2;
	s9 =	simm.s32 $0xA0  }
0xc: {  	s6 =	sadd.s32 $0x1600, s7;
	s7 =	smax.u32 s10, $0x1;
	s10 =	simm.s32 $0x100  }
.LBB2_1:
0xd: {  	[tilespmem:s3], [sflag:$0x2] =	stream.linear.gather [hbm4b:s4+s3], $0xA0, $0x38;
	[tilespmem:$0xF100] =	vst v63  }
0xe: {  	_ =	swait.ge [sflag:s8], $0xA0  }
0xf: {  	[sflag:s8] =	ssyncset.done $0x0  }
0x10: {  	[sflag:s8] =	ssyncadd.s32 $0xFFFFFF60  }
0x11: {  	[tilespmem:s10], [sflag:$0x1] =	stream.indirect.gather [hbm4b:s1+s9], $0x80, s3, s9, $0xb8;
	[tilespmem:$0xF100] =	vst v63  }
0x12: {  	_ = 	snop  }
0x13: {  	[tilespmem:s11], [sflag:$0x2] =	stream.linear.gather [hbm4b:s5+s3], $0x5000, $0x38;
	[tilespmem:$0xF100] =	vst v63  }
0x14: {  	_ =	swait.ge [sflag:s8], $0x5000  }
0x15: {  	[sflag:s8] =	ssyncset.done $0x0  }
0x16: {  	[sflag:s8] =	ssyncadd.s32 $0xFFFFB000  }
0x17: {  	_ =	swait.ge [sflag:s12], $0x5000  }
0x18: {  	[sflag:s12] =	ssyncset.done $0x0  }
0x19: {  	s18 =	simm.s32 $0x300;
	[sflag:s12] =	ssyncadd.s32 $0xFFFFB000  }
0x1a: {  	s15 =	simm.s32 $0x5300;
	v1 =	vld [tilespmem:s18+$0x180]  }
0x1b: {  	v2 =	vld [tilespmem:s15+$0x180]  }
0x1c: {  	v0 =	vld [tilespmem:s15+$0xFFFFFE00]  }
0x1d: {  	v3 =	vld [tilespmem:s18+$0xFFFFFE80]  }
0x1e: {  	v4 =	vld [tilespmem:s15+$0xFFFFFE80]  }
0x1f: {  	v5 =	vld [tilespmem:s18+$0xFFFFFF00]  }
0x20: {  	v6 =	vld [tilespmem:s15+$0xFFFFFF00]  }
0x21: {  	v7 =	vld [tilespmem:s18+$0xFFFFFF80]  }
0x22: {  	v8 =	vld [tilespmem:s15+$0xFFFFFF80]  }
0x23: {  	v9 =	vld [tilespmem:s18+$0x0]  }
0x24: {  	v10 =	vld [tilespmem:s15+$0x0];
	v2 =	vmul.f32 v2, v1  }
0x25: {  	s16 =	simm.s32 $0xA300;
	v4 =	vmul.f32 v4, v3;
	v1 =	vld [tilespmem:s18+$0x80]  }
0x26: {  	v5 =	vmul.f32 v6, v5;
	v3 =	vld [tilespmem:s15+$0x80];
	[tilespmem:s16+$0x180] =	vst v2  }
0x27: {  	v6 =	vmul.f32 v8, v7;
	[tilespmem:s16+$0xFFFFFE80] =	vst v4;
	v2 =	vld [tilespmem:s18+$0x100]  }
0x28: {  	[tilespmem:s16+$0xFFFFFF00] =	vst v5;
	v5 =	vld [tilespmem:s15+$0x100]  }
0x29: {  	s17 =	simm.s32 $0x0;
	v4 =	vld [tilespmem:s18+$0xFFFFFE00];
	[tilespmem:s16+$0xFFFFFF80] =	vst v6;
	v6 =	vmul.f32 v10, v9;
	s18 =	simm.s32 $0x700  }
.LBB2_2:
0x2a: {  	v7 =	vld [tilespmem:s18+$0x180];
	s15 =	sadd.s32 $0x400, s15  }
0x2b: {  	s17 =	sadd.s32 $0x8, s17;
	v8 =	vld [tilespmem:s15+$0x180];
	[tilespmem:s16+$0x0] =	vst v6;
	v1 =	vmul.f32 v3, v1  }
0x2c: {  	p0 =	slt.u32 s17, $0x98;
	v3 =	vld [tilespmem:s15+$0xFFFFFE00]  }
0x2d: {  	v6 =	vld [tilespmem:s18+$0xFFFFFE80];
	[tilespmem:s16+$0x80] =	vst v1;
	v1 =	vmul.f32 v5, v2  }
0x2e: {  	v2 =	vld [tilespmem:s15+$0xFFFFFE80];
	v9 =	vmul.f32 v0, v4  }
0x2f: {  	v4 =	vld [tilespmem:s18+$0xFFFFFF00];
	[tilespmem:s16+$0x100] =	vst v1  }
0x30: {  	v1 =	vld [tilespmem:s15+$0xFFFFFF00];
	v5 =	vmul.f32 v8, v7;
	[tilespmem:s16+$0xFFFFFE00] =	vst v9  }
0x31: {  	s16 =	sadd.s32 $0x400, s16;
	v7 =	vld [tilespmem:s18+$0xFFFFFF80];
	v0 =	vmov v3  }
0x32: {  	v8 =	vld [tilespmem:s15+$0xFFFFFF80];
	[tilespmem:s16+$0x180] =	vst v5  }
0x33: {  	v2 =	vmul.f32 v2, v6;
	v6 =	vld [tilespmem:s18+$0x0]  }
0x34: {  	v9 =	vld [tilespmem:s15+$0x0]  }
.Ltmp0:
0x35: {  	[tilespmem:s16+$0xFFFFFE80] =	vst v2;
	v2 =	vmul.f32 v1, v4;
	v1 =	vld [tilespmem:s18+$0x80];
	(pc) =	sbr.rel @p0 .LBB2_2-.Ltmp0, $4  }
0x36: {  	v3 =	vld [tilespmem:s15+$0x80]  }
0x37: {  	[tilespmem:s16+$0xFFFFFF00] =	vst v2;
	v7 =	vmul.f32 v8, v7;
	v2 =	vld [tilespmem:s18+$0x100]  }
0x38: {  	v5 =	vld [tilespmem:s15+$0x100]  }
0x39: {  	v4 =	vld [tilespmem:s18+$0xFFFFFE00];
	[tilespmem:s16+$0xFFFFFF80] =	vst v7;
	v6 =	vmul.f32 v9, v6;
	s18 =	sadd.s32 $0x400, s18  }
0x3a: {  	_ =	sdelay $0x1  }
0x3b: {  	v1 =	vmul.f32 v3, v1  }
0x3c: {  	[tilespmem:s16+$0x0] =	vst v6;
	v2 =	vmul.f32 v5, v2  }
0x3d: {  	s14 =	sadd.s32 $0x1, s14;
	[tilespmem:s16+$0x80] =	vst v1;
	v0 =	vmul.f32 v0, v4  }
0x3e: {  	p0 =	sne.s32 s14, s7;
	[tilespmem:s16+$0x100] =	vst v2  }
.Ltmp1:
0x3f: {  	[tilespmem:s16+$0xFFFFFE00] =	vst v0;
	(pc) =	sbr.rel @p0 .LBB2_1-.Ltmp1, $4  }
0x40: {  	[hbm4b:s6+s3] =	stream.linear.scatter [tilespmem:s13], [sflag:$0x2], $0x5000, $0x38;
	[tilespmem:$0xF100] =	vst v63  }
0x41: {  	_ =	swait.ge [sflag:s8], $0x5000  }
0x42: {  	[sflag:s8] =	ssyncset.done $0x0  }
0x43: {  	[sflag:s8] =	ssyncadd.s32 $0xFFFFB000  }
0x44: {  	_ =	sfence.sel $0x180000  }
0x45: {  	[bflag:$0x0] =	sbarrier.arrive $0xFFFF  }
0x46: {  	p0 =	sne.s32 s0, $0x0;
	_ =	strace $0x90000047  }
0x47: {  	s0 =	sadd.s32 @!p0 $0x100000, s2;
	[bflag:$0x2] =	sbarrier.arrive $0xFFFF  }
0x48: {  	[sflag:s0] =	ssyncadd.tile.s32 @!p0 $0x1;
	_ =	shalt  }
.Lfunc_end2:
_tile_overlayer_lowered:
.L_overlay_start_2:
0x49: {  	(tag) =	ssettag $0x2  }
0x4a: {  	s0 =	rddreg [dreg:$0x0];
	s2 =	stileid.u32  }
0x4b: {  	s1 =	rddreg [dreg:$0x1];
	p0 =	sne.s32 s2, $0x0  }
0x4c: {  	s3 =	rddreg [dreg:$0x2];
	[bflag:$0x3] =	sbarrier.arrive $0xFFFF;
	s2 =	simm.s32 @!p0 $0x1C02  }
0x4d: {  	[timem:s3], [sflag:s2] =	dma.local @!p0 [hbm:s0], s1  }
0x4e: {  	s0 =	simm.s32 @!p0 $0x2  }
0x4f: {  	_ =	swait.ge @!p0 [sflag:s0], s1  }
0x50: {  	s1 =	ssub.s32 @!p0 $0x0, s1;
	[sflag:s0] =	ssyncset.done @!p0 $0x0  }
0x51: {  	[sflag:s0] =	ssyncadd.s32 @!p0 s1  }
0x52: {  	[bflag:$0x3] =	sbarrier.arrive $0xFFFF  }
0x53: {  	_ =	shalt  }

</sc_bundles>
